<compile_context>
chip_gen: v7x
topology: tpu7x:2x2x1
jax: 0.10.2.dev20260603
libtpu: 0.0.44.dev20260713+nightly
codegen_flags: <defaults>
</compile_context>

<pallas_src>
import functools

import jax
import jax.numpy as jnp
from jax import lax
from jax.experimental import pallas as pl
from jax.experimental.pallas import tpu as pltpu
from jax.experimental.pallas import tpu_sc as plsc

_TEMPERATURE = 0.1
_B = 128
_B2 = 2 * _B
_D = 64
_Q = 1000000
_BQ = 10000
_NBLK = _Q // _BQ
_NEG = -3.0e38
_BIGF = 3.0e38


_NS = 5
_BS = _BQ // _NS


def _simarg_body(p_ref, *refs):
    q_refs = refs[:_NS]
    idx_out, pn_out, vmax, vidx, viota = refs[_NS:]
    i = pl.program_id(0)

    @pl.when(i == 0)
    def _init():
        vmax[...] = jnp.full((1, _B2), _NEG, jnp.float32)
        vidx[...] = jnp.zeros((1, _B2), jnp.int32)
        viota[...] = lax.broadcasted_iota(
            jnp.int32, (_BS, _B2), 0
        ).astype(jnp.float32)

    p = p_ref[...]
    sq = jnp.sum(p * p, axis=1, keepdims=True)
    pn = p * lax.rsqrt(jnp.maximum(sq, 1e-12))

    for k, q_ref in enumerate(q_refs):
        sim = lax.dot_general(
            q_ref[...], pn, (((1,), (1,)), ((), ())),
            preferred_element_type=jnp.float32,
        )
        bmax = jnp.max(sim, axis=0, keepdims=True)
        bloc = jnp.min(
            jnp.where(sim == bmax, viota[...], _BIGF), axis=0, keepdims=True
        )
        bidx = bloc.astype(jnp.int32) + (_NS * i + k) * _BS
        better = bmax > vmax[...]
        vmax[...] = jnp.where(better, bmax, vmax[...])
        vidx[...] = jnp.where(better, bidx, vidx[...])

    @pl.when(i == _NBLK - 1)
    def _fin():
        idx_out[...] = vidx[...]
        pn_out[...] = pn


def _simarg(P, Qf):
    def _qspec(k):
        return pl.BlockSpec(
            (_BS, _D), lambda i, _k=k: (_NS * i + _k, 0)
        )

    return pl.pallas_call(
        _simarg_body,
        grid=(_NBLK,),
        in_specs=[pl.BlockSpec((_B2, _D), lambda i: (0, 0))]
        + [_qspec(k) for k in range(_NS)],
        out_specs=[
            pl.BlockSpec((1, _B2), lambda i: (0, 0)),
            pl.BlockSpec((_B2, _D), lambda i: (0, 0)),
        ],
        out_shape=[
            jax.ShapeDtypeStruct((1, _B2), jnp.int32),
            jax.ShapeDtypeStruct((_B2, _D), jnp.float32),
        ],
        scratch_shapes=[
            pltpu.VMEM((1, _B2), jnp.float32),
            pltpu.VMEM((1, _B2), jnp.int32),
            pltpu.VMEM((_BS, _B2), jnp.float32),
        ],
    )(P, *([Qf] * _NS))


def _sc_gather(Q, idx):
    info = plsc.get_sparse_core_info()
    nw = info.num_cores * info.num_subcores
    bpw = _B2 // nw

    mesh = plsc.VectorSubcoreMesh(core_axis_name="c", subcore_axis_name="s")

    @functools.partial(
        pl.kernel,
        mesh=mesh,
        compiler_params=pltpu.CompilerParams(use_tc_tiling_on_sc=False),
        out_type=jax.ShapeDtypeStruct((_B2, _D), jnp.float32),
        scratch_types=[
            pltpu.VMEM((bpw,), jnp.int32),
            pltpu.VMEM((bpw, _D), jnp.float32),
            pltpu.SemaphoreType.DMA,
        ],
    )
    def gk(q_hbm, idx_hbm, out_hbm, idx_v, rows_v, sem):
        wid = lax.axis_index("s") * info.num_cores + lax.axis_index("c")
        base = wid * bpw
        pltpu.sync_copy(idx_hbm.at[pl.ds(base, bpw)], idx_v)
        pltpu.async_copy(q_hbm.at[idx_v], rows_v, sem).wait()
        pltpu.sync_copy(rows_v, out_hbm.at[pl.ds(base, bpw)])

    return gk(Q, idx)


def _loss_body(pn_ref, nn_ref, out_ref):
    pn = pn_ref[...]
    nn = nn_ref[...]
    p1 = pn[:_B]
    p2 = pn[_B:]
    n1 = nn[:_B]
    n2 = nn[_B:]
    inv_t = 1.0 / _TEMPERATURE

    def dt(a, b):
        return lax.dot_general(
            a, b, (((1,), (1,)), ((), ())),
            preferred_element_type=jnp.float32,
        ) * inv_t

    logits = jnp.concatenate(
        [dt(n1, p2), dt(p2, n1), dt(n2, p1), dt(p1, n2)], axis=0
    )
    m = jnp.max(logits, axis=1, keepdims=True)
    lse = m + jnp.log(jnp.sum(jnp.exp(logits - m), axis=1, keepdims=True))
    rows = lax.broadcasted_iota(jnp.int32, (4 * _B, _B), 0)
    cols = lax.broadcasted_iota(jnp.int32, (4 * _B, _B), 1)
    picked = jnp.sum(
        jnp.where(cols == lax.rem(rows, _B), logits, 0.0),
        axis=1, keepdims=True,
    )
    out_ref[...] = lse - picked


def _loss(pn, nn):
    return pl.pallas_call(
        _loss_body,
        out_shape=jax.ShapeDtypeStruct((4 * _B, 1), jnp.float32),
    )(pn, nn)


def kernel(projections_1, projections_2, feature_queue):
    P = jnp.concatenate([projections_1, projections_2], axis=0)
    idx2, pn = _simarg(P, feature_queue)
    nn = _sc_gather(feature_queue, idx2.reshape(_B2))
    return _loss(pn, nn).reshape(4 * _B)

# --- scband reference (transcript-rebuilt; emitter-appended) ---
"""Pipeline reference for scband-nnclr-9139690406168 (READ-ONLY COPY).

The authoritative reference and input builder live on the scoring server;
editing this copy changes nothing except your own understanding.
"""

import jax, jax.numpy as jnp
import numpy as np

TEMPERATURE = 0.1
BATCH = 128
QUEUE_SIZE = 1000000
FEATURE_DIM = 64


def _l2_normalize(x, axis=1):
    # matches tf.math.l2_normalize: x * rsqrt(max(sum(x^2), eps))
    sq = jnp.sum(jnp.square(x), axis=axis, keepdims=True)
    return x * jax.lax.rsqrt(jnp.maximum(sq, 1e-12))


def setup_inputs(seed: int = 0) -> dict:
    key = jax.random.key(seed)
    k1, k2, k3 = jax.random.split(key, 3)
    projections_1 = jax.random.normal(k1, (BATCH, FEATURE_DIM), dtype=jnp.float32)
    projections_2 = jax.random.normal(k2, (BATCH, FEATURE_DIM), dtype=jnp.float32)
    # queue is initialized l2-normalized in __init__
    feature_queue = _l2_normalize(
        jax.random.normal(k3, (QUEUE_SIZE, FEATURE_DIM), dtype=jnp.float32), axis=1
    )
    return {
        "projections_1": projections_1,
        "projections_2": projections_2,
        "feature_queue": feature_queue,
    }


def reference(projections_1, projections_2, feature_queue):
    # NNCLR.contrastive_loss with NNCLR.nearest_neighbour (retrieval-kNN core)
    p1 = _l2_normalize(projections_1, axis=1)
    p2 = _l2_normalize(projections_2, axis=1)

    def nearest_neighbour(p):
        support_similarities = jnp.matmul(p, feature_queue.T)  # [B, Q]
        idx = jnp.argmax(support_similarities, axis=1)          # [B]
        nn_projections = jnp.take(feature_queue, idx, axis=0)   # gather rows
        return p + jax.lax.stop_gradient(nn_projections - p)

    nn1 = nearest_neighbour(p1)
    nn2 = nearest_neighbour(p2)

    similarities_1_2_1 = jnp.matmul(nn1, p2.T) / TEMPERATURE
    similarities_1_2_2 = jnp.matmul(p2, nn1.T) / TEMPERATURE
    similarities_2_1_1 = jnp.matmul(nn2, p1.T) / TEMPERATURE
    similarities_2_1_2 = jnp.matmul(p1, nn2.T) / TEMPERATURE

    batch_size = p1.shape[0]
    contrastive_labels = jnp.arange(batch_size)
    labels = jnp.concatenate([contrastive_labels] * 4, axis=0)
    logits = jnp.concatenate(
        [similarities_1_2_1, similarities_1_2_2, similarities_2_1_1, similarities_2_1_2],
        axis=0,
    )
    # sparse_categorical_crossentropy(from_logits=True): logsumexp - logit[label]
    lse = jax.scipy.special.logsumexp(logits, axis=1)
    picked = jnp.take_along_axis(logits, labels[:, None], axis=1)[:, 0]
    loss = lse - picked  # per-example loss vector, shape [4B]
    return loss

if __name__ == "__main__":
    import jax
    _d = setup_inputs()
    print(jax.jit(kernel)(*tuple(_d.values())))

</pallas_src>

<mosaic_0001>
#map = affine_map<(d0, d1) -> (0, 0)>
#map1 = affine_map<(d0, d1) -> (0)>
module attributes {stable_mosaic.version = 14 : i64} {
  func.func @gk(%arg0: i32, %arg1: i32, %arg2: memref<1000000x64xf32, #tpu.memory_space<hbm>>, %arg3: memref<256xi32, #tpu.memory_space<hbm>>, %arg4: memref<256x64xf32, #tpu.memory_space<hbm>>, %arg5: memref<8xi32, #tpu.memory_space<vmem>>, %arg6: memref<8x64xf32, #tpu.memory_space<vmem>>, %arg7: memref<!tpu.dma_semaphore, #tpu.memory_space<semaphore_mem>>) attributes {dimension_semantics = [#tpu.dimension_semantics<core_parallel>, #tpu.dimension_semantics<subcore_parallel>], iteration_bounds = array<i64: 2, 16>, scalar_prefetch = 0 : i64, scratch_operands = 3 : i64, tpu.core_type = #tpu.core_type<sc_vector_subcore>, window_params = [{transform_indices = #map}, {transform_indices = #map1}, {transform_indices = #map}]} {
    %mul3A = arith.constant 2 : i32
    %mul3A_0 = arith.muli %arg1, %mul3A : i32
    %add3A = arith.addi %mul3A_0, %arg0 : i32
    %mul3A_1 = arith.constant 8 : i32
    %mul3A_2 = arith.muli %add3A, %mul3A_1 : i32
    "tpu.region"() ({
      %run_scoped3A = tpu.sem_alloc : memref<!tpu.dma_semaphore, #tpu.memory_space<semaphore_mem>>
      %dma_start3A_7 = tpu.memref_slice %arg3[%mul3A_2] : memref<256xi32, #tpu.memory_space<hbm>> -> memref<8xi32, #tpu.memory_space<hbm>>
      %dma_start3A_8 = tpu.memref_slice %arg3[%mul3A_2] : memref<256xi32, #tpu.memory_space<hbm>> -> memref<8xi32, #tpu.memory_space<hbm>>
      tpu.enqueue_dma source(%dma_start3A_8 : memref<8xi32, #tpu.memory_space<hbm>>) target(%arg5 : memref<8xi32, #tpu.memory_space<vmem>>) target_semaphore(%run_scoped3A : memref<!tpu.dma_semaphore, #tpu.memory_space<semaphore_mem>>)
      %dma_wait3A_9 = tpu.memref_slice %arg3[%mul3A_2] : memref<256xi32, #tpu.memory_space<hbm>> -> memref<8xi32, #tpu.memory_space<hbm>>
      %dma_wait3A_10 = tpu.memref_slice %arg3[%mul3A_2] : memref<256xi32, #tpu.memory_space<hbm>> -> memref<8xi32, #tpu.memory_space<hbm>>
      tpu.wait_dma2 semaphore(%run_scoped3A : memref<!tpu.dma_semaphore, #tpu.memory_space<semaphore_mem>>) src(%dma_wait3A_10 : memref<8xi32, #tpu.memory_space<hbm>>) dst(%arg5 : memref<8xi32, #tpu.memory_space<vmem>>)
      tpu.yield
    }) : () -> ()
    %dma_start3A = arith.constant 0 : i32
    %dma_start3A_3 = arith.constant 0 : i32
    %dma_start3A_4 = tpu.memref_slice %arg2[%dma_start3A, %dma_start3A_3] : memref<1000000x64xf32, #tpu.memory_space<hbm>> -> memref<1000000x64xf32, #tpu.memory_space<hbm>>
    tpu.enqueue_indirect_dma source(%dma_start3A_4 : memref<1000000x64xf32, #tpu.memory_space<hbm>>) target(%arg6 : memref<8x64xf32, #tpu.memory_space<vmem>>) offsets(%arg5 : memref<8xi32, #tpu.memory_space<vmem>>) semaphore(%arg7 : memref<!tpu.dma_semaphore, #tpu.memory_space<semaphore_mem>>)
    %dma_wait3A = arith.constant 0 : i32
    %dma_wait3A_5 = arith.constant 0 : i32
    %dma_wait3A_6 = tpu.memref_slice %arg2[%dma_wait3A, %dma_wait3A_5] : memref<1000000x64xf32, #tpu.memory_space<hbm>> -> memref<1000000x64xf32, #tpu.memory_space<hbm>>
    tpu.wait_indirect_dma semaphore(%arg7 : memref<!tpu.dma_semaphore, #tpu.memory_space<semaphore_mem>>) src(%dma_wait3A_6 : memref<1000000x64xf32, #tpu.memory_space<hbm>>) dst(%arg6 : memref<8x64xf32, #tpu.memory_space<vmem>>)
    "tpu.region"() ({
      %run_scoped3A = tpu.sem_alloc : memref<!tpu.dma_semaphore, #tpu.memory_space<semaphore_mem>>
      %dma_start3A_7 = arith.constant 0 : i32
      %dma_start3A_8 = tpu.memref_slice %arg4[%mul3A_2, %dma_start3A_7] : memref<256x64xf32, #tpu.memory_space<hbm>> -> memref<8x64xf32, #tpu.memory_space<hbm>>
      %dma_start3A_9 = arith.constant 0 : i32
      %dma_start3A_10 = tpu.memref_slice %arg4[%mul3A_2, %dma_start3A_9] : memref<256x64xf32, #tpu.memory_space<hbm>> -> memref<8x64xf32, #tpu.memory_space<hbm>>
      tpu.enqueue_dma source(%arg6 : memref<8x64xf32, #tpu.memory_space<vmem>>) target(%dma_start3A_10 : memref<8x64xf32, #tpu.memory_space<hbm>>) target_semaphore(%run_scoped3A : memref<!tpu.dma_semaphore, #tpu.memory_space<semaphore_mem>>)
      %dma_wait3A_11 = arith.constant 0 : i32
      %dma_wait3A_12 = tpu.memref_slice %arg4[%mul3A_2, %dma_wait3A_11] : memref<256x64xf32, #tpu.memory_space<hbm>> -> memref<8x64xf32, #tpu.memory_space<hbm>>
      %dma_wait3A_13 = arith.constant 0 : i32
      %dma_wait3A_14 = tpu.memref_slice %arg4[%mul3A_2, %dma_wait3A_13] : memref<256x64xf32, #tpu.memory_space<hbm>> -> memref<8x64xf32, #tpu.memory_space<hbm>>
      tpu.wait_dma2 semaphore(%run_scoped3A : memref<!tpu.dma_semaphore, #tpu.memory_space<semaphore_mem>>) src(%arg6 : memref<8x64xf32, #tpu.memory_space<vmem>>) dst(%dma_wait3A_14 : memref<8x64xf32, #tpu.memory_space<hbm>>)
      tpu.yield
    }) : () -> ()
    return
  }
}

module attributes {stable_mosaic.version = 14 : i64} {
  func.func @_simarg_body(%arg0: i32, %arg1: memref<256x64xf32, #tpu.memory_space<vmem>>, %arg2: memref<2000x64xf32, #tpu.memory_space<vmem>>, %arg3: memref<2000x64xf32, #tpu.memory_space<vmem>>, %arg4: memref<2000x64xf32, #tpu.memory_space<vmem>>, %arg5: memref<2000x64xf32, #tpu.memory_space<vmem>>, %arg6: memref<2000x64xf32, #tpu.memory_space<vmem>>, %arg7: memref<1x256xi32, #tpu.memory_space<vmem>>, %arg8: memref<256x64xf32, #tpu.memory_space<vmem>>, %arg9: memref<1x256xf32, #tpu.memory_space<vmem>>, %arg10: memref<1x256xi32, #tpu.memory_space<vmem>>, %arg11: memref<2000x256xf32, #tpu.memory_space<vmem>>) attributes {dimension_semantics = [#tpu.dimension_semantics<arbitrary>], iteration_bounds = array<i64: 100>, scalar_prefetch = 0 : i64, scratch_operands = 3 : i64, tpu.core_type = #tpu.core_type<tc>, window_params = [{pipeline_mode = #tpu.pipeline_mode<synchronous>, transform_indices = @transform_0, window_bounds = array<i64: 256, 64>}, {transform_indices = @transform_1, window_bounds = array<i64: 2000, 64>}, {transform_indices = @transform_2, window_bounds = array<i64: 2000, 64>}, {transform_indices = @transform_3, window_bounds = array<i64: 2000, 64>}, {transform_indices = @transform_4, window_bounds = array<i64: 2000, 64>}, {transform_indices = @transform_5, window_bounds = array<i64: 2000, 64>}, {pipeline_mode = #tpu.pipeline_mode<synchronous>, transform_indices = @transform_6, window_bounds = array<i64: 1, 256>}, {pipeline_mode = #tpu.pipeline_mode<synchronous>, transform_indices = @transform_7, window_bounds = array<i64: 256, 64>}]} {
    %eq3A = arith.constant 0 : i32
    %eq3A_0 = arith.cmpi eq, %arg0, %eq3A : i32
    %convert_element_type3A = arith.extui %eq3A_0 : i1 to i32
    %cond3A = arith.constant 0 : i32
    %cond3A_1 = arith.cmpi ne, %convert_element_type3A, %cond3A : i32
    scf.if %cond3A_1 {
      %broadcast_in_dim3A_236 = arith.constant -3.000000e+38 : f32
      %broadcast_in_dim3A_237 = vector.broadcast %broadcast_in_dim3A_236 : f32 to vector<1x256xf32>
      %swap3A_238 = arith.constant 0 : index
      %swap3A_239 = arith.constant 0 : index
      %swap3A_240 = vector.load %arg9[%swap3A_238, %swap3A_239] : memref<1x256xf32, #tpu.memory_space<vmem>>, vector<1x256xf32>
      tpu.vector_store %arg9[%swap3A_238, %swap3A_239], %broadcast_in_dim3A_237 {strides = array<i32>} : memref<1x256xf32, #tpu.memory_space<vmem>>, vector<1x256xf32>,
      %broadcast_in_dim3A_241 = arith.constant 0 : i32
      %broadcast_in_dim3A_242 = vector.broadcast %broadcast_in_dim3A_241 : i32 to vector<1x256xi32>
      %swap3A_243 = arith.constant 0 : index
      %swap3A_244 = arith.constant 0 : index
      %swap3A_245 = vector.load %arg10[%swap3A_243, %swap3A_244] : memref<1x256xi32, #tpu.memory_space<vmem>>, vector<1x256xi32>
      tpu.vector_store %arg10[%swap3A_243, %swap3A_244], %broadcast_in_dim3A_242 {strides = array<i32>} : memref<1x256xi32, #tpu.memory_space<vmem>>, vector<1x256xi32>,
      %iota3A = tpu.iota {dimensions = array<i32: 0>} : vector<2000x256xi32>
      %convert_element_type3A_246 = arith.sitofp %iota3A : vector<2000x256xi32> to vector<2000x256xf32>
      %swap3A_247 = arith.constant 0 : index
      %swap3A_248 = arith.constant 0 : index
      %swap3A_249 = vector.load %arg11[%swap3A_247, %swap3A_248] : memref<2000x256xf32, #tpu.memory_space<vmem>>, vector<2000x256xf32>
      tpu.vector_store %arg11[%swap3A_247, %swap3A_248], %convert_element_type3A_246 {strides = array<i32>} : memref<2000x256xf32, #tpu.memory_space<vmem>>, vector<2000x256xf32>,
    } else {
    }
    %get3A = arith.constant 0 : index
    %get3A_2 = arith.constant 0 : index
    %get3A_3 = vector.load %arg1[%get3A, %get3A_2] : memref<256x64xf32, #tpu.memory_space<vmem>>, vector<256x64xf32>
    %mul3A = arith.mulf %get3A_3, %get3A_3 : vector<256x64xf32>
    %reduce_sum3A = arith.constant dense<0.000000e+00> : vector<256xf32>
    %reduce_sum3A_4 = vector.multi_reduction <add>, %mul3A, %reduce_sum3A [1] : vector<256x64xf32> to vector<256xf32>
    %broadcast_in_dim3A = vector.shape_cast %reduce_sum3A_4 : vector<256xf32> to vector<256x1xf32>
    %max3A = arith.constant 9.99999996E-13 : f32
    %max3A_5 = vector.broadcast %max3A : f32 to vector<256x1xf32>
    %max3A_6 = arith.maximumf %broadcast_in_dim3A, %max3A_5 : vector<256x1xf32>
    %rsqrt3A = math.rsqrt %max3A_6 : vector<256x1xf32>
    %mul3A_7 = vector.broadcast %rsqrt3A : vector<256x1xf32> to vector<256x64xf32>
    %mul3A_8 = arith.mulf %get3A_3, %mul3A_7 : vector<256x64xf32>
    %get3A_9 = arith.constant 0 : index
    %get3A_10 = arith.constant 0 : index
    %get3A_11 = vector.load %arg2[%get3A_9, %get3A_10] : memref<2000x64xf32, #tpu.memory_space<vmem>>, vector<2000x64xf32>
    %dot_general3A = arith.constant dense<0.000000e+00> : vector<2000x256xf32>
    %dot_general3A_12 = tpu.matmul %get3A_11, %mul3A_8, %dot_general3A {dimension_numbers = #tpu.dot_dimension_numbers<[1], [1], [0], [0], [0, 0, 1, 0], [], []>, transpose_lhs_hint = false} : vector<2000x64xf32>, vector<256x64xf32>, vector<2000x256xf32> -> vector<2000x256xf32>
    %reduce_max3A = arith.constant dense<0xFF800000> : vector<256xf32>
    %reduce_max3A_13 = vector.multi_reduction <maximumf>, %dot_general3A_12, %reduce_max3A [0] : vector<2000x256xf32> to vector<256xf32>
    %broadcast_in_dim3A_14 = vector.shape_cast %reduce_max3A_13 : vector<256xf32> to vector<1x256xf32>
    %eq3A_15 = vector.broadcast %broadcast_in_dim3A_14 : vector<1x256xf32> to vector<2000x256xf32>
    %eq3A_16 = arith.cmpf oeq, %dot_general3A_12, %eq3A_15 : vector<2000x256xf32>
    %get3A_17 = arith.constant 0 : index
    %get3A_18 = arith.constant 0 : index
    %get3A_19 = vector.load %arg11[%get3A_17, %get3A_18] : memref<2000x256xf32, #tpu.memory_space<vmem>>, vector<2000x256xf32>
    %jit3A = arith.constant 3.000000e+38 : f32
    %broadcast_in_dim3A_20 = vector.broadcast %jit3A : f32 to vector<2000x256xf32>
    %select_n3A = arith.select %eq3A_16, %get3A_19, %broadcast_in_dim3A_20 : vector<2000x256xi1>, vector<2000x256xf32>
    %reduce_min3A = arith.constant dense<0x7F800000> : vector<256xf32>
    %reduce_min3A_21 = vector.multi_reduction <minimumf>, %select_n3A, %reduce_min3A [0] : vector<2000x256xf32> to vector<256xf32>
    %broadcast_in_dim3A_22 = vector.shape_cast %reduce_min3A_21 : vector<256xf32> to vector<1x256xf32>
    %convert_element_type3A_23 = arith.fptosi %broadcast_in_dim3A_22 : vector<1x256xf32> to vector<1x256xi32>
    %mul3A_24 = arith.constant 5 : i32
    %mul3A_25 = arith.muli %mul3A_24, %arg0 : i32
    %add3A = arith.constant 0 : i32
    %add3A_26 = arith.addi %mul3A_25, %add3A : i32
    %mul3A_27 = arith.constant 2000 : i32
    %mul3A_28 = arith.muli %add3A_26, %mul3A_27 : i32
    %add3A_29 = vector.broadcast %mul3A_28 : i32 to vector<1x256xi32>
    %add3A_30 = arith.addi %convert_element_type3A_23, %add3A_29 : vector<1x256xi32>
    %get3A_31 = arith.constant 0 : index
    %get3A_32 = arith.constant 0 : index
    %get3A_33 = vector.load %arg9[%get3A_31, %get3A_32] : memref<1x256xf32, #tpu.memory_space<vmem>>, vector<1x256xf32>
    %gt3A = arith.cmpf ogt, %broadcast_in_dim3A_14, %get3A_33 : vector<1x256xf32>
    %get3A_34 = arith.constant 0 : index
    %get3A_35 = arith.constant 0 : index
    %get3A_36 = vector.load %arg9[%get3A_34, %get3A_35] : memref<1x256xf32, #tpu.memory_space<vmem>>, vector<1x256xf32>
    %select_n3A_37 = arith.select %gt3A, %broadcast_in_dim3A_14, %get3A_36 : vector<1x256xi1>, vector<1x256xf32>
    %swap3A = arith.constant 0 : index
    %swap3A_38 = arith.constant 0 : index
    %swap3A_39 = vector.load %arg9[%swap3A, %swap3A_38] : memref<1x256xf32, #tpu.memory_space<vmem>>, vector<1x256xf32>
    tpu.vector_store %arg9[%swap3A, %swap3A_38], %select_n3A_37 {strides = array<i32>} : memref<1x256xf32, #tpu.memory_space<vmem>>, vector<1x256xf32>,
    %get3A_40 = arith.constant 0 : index
    %get3A_41 = arith.constant 0 : index
    %get3A_42 = vector.load %arg10[%get3A_40, %get3A_41] : memref<1x256xi32, #tpu.memory_space<vmem>>, vector<1x256xi32>
    %select_n3A_43 = arith.select %gt3A, %add3A_30, %get3A_42 : vector<1x256xi1>, vector<1x256xi32>
    %swap3A_44 = arith.constant 0 : index
    %swap3A_45 = arith.constant 0 : index
    %swap3A_46 = vector.load %arg10[%swap3A_44, %swap3A_45] : memref<1x256xi32, #tpu.memory_space<vmem>>, vector<1x256xi32>
    tpu.vector_store %arg10[%swap3A_44, %swap3A_45], %select_n3A_43 {strides = array<i32>} : memref<1x256xi32, #tpu.memory_space<vmem>>, vector<1x256xi32>,
    %get3A_47 = arith.constant 0 : index
    %get3A_48 = arith.constant 0 : index
    %get3A_49 = vector.load %arg3[%get3A_47, %get3A_48] : memref<2000x64xf32, #tpu.memory_space<vmem>>, vector<2000x64xf32>
    %dot_general3A_50 = arith.constant dense<0.000000e+00> : vector<2000x256xf32>
    %dot_general3A_51 = tpu.matmul %get3A_49, %mul3A_8, %dot_general3A_50 {dimension_numbers = #tpu.dot_dimension_numbers<[1], [1], [0], [0], [0, 0, 1, 0], [], []>, transpose_lhs_hint = false} : vector<2000x64xf32>, vector<256x64xf32>, vector<2000x256xf32> -> vector<2000x256xf32>
    %reduce_max3A_52 = arith.constant dense<0xFF800000> : vector<256xf32>
    %reduce_max3A_53 = vector.multi_reduction <maximumf>, %dot_general3A_51, %reduce_max3A_52 [0] : vector<2000x256xf32> to vector<256xf32>
    %broadcast_in_dim3A_54 = vector.shape_cast %reduce_max3A_53 : vector<256xf32> to vector<1x256xf32>
    %eq3A_55 = vector.broadcast %broadcast_in_dim3A_54 : vector<1x256xf32> to vector<2000x256xf32>
    %eq3A_56 = arith.cmpf oeq, %dot_general3A_51, %eq3A_55 : vector<2000x256xf32>
    %get3A_57 = arith.constant 0 : index
    %get3A_58 = arith.constant 0 : index
    %get3A_59 = vector.load %arg11[%get3A_57, %get3A_58] : memref<2000x256xf32, #tpu.memory_space<vmem>>, vector<2000x256xf32>
    %jit3A_60 = arith.constant 3.000000e+38 : f32
    %broadcast_in_dim3A_61 = vector.broadcast %jit3A_60 : f32 to vector<2000x256xf32>
    %select_n3A_62 = arith.select %eq3A_56, %get3A_59, %broadcast_in_dim3A_61 : vector<2000x256xi1>, vector<2000x256xf32>
    %reduce_min3A_63 = arith.constant dense<0x7F800000> : vector<256xf32>
    %reduce_min3A_64 = vector.multi_reduction <minimumf>, %select_n3A_62, %reduce_min3A_63 [0] : vector<2000x256xf32> to vector<256xf32>
    %broadcast_in_dim3A_65 = vector.shape_cast %reduce_min3A_64 : vector<256xf32> to vector<1x256xf32>
    %convert_element_type3A_66 = arith.fptosi %broadcast_in_dim3A_65 : vector<1x256xf32> to vector<1x256xi32>
    %mul3A_67 = arith.constant 5 : i32
    %mul3A_68 = arith.muli %mul3A_67, %arg0 : i32
    %add3A_69 = arith.constant 1 : i32
    %add3A_70 = arith.addi %mul3A_68, %add3A_69 : i32
    %mul3A_71 = arith.constant 2000 : i32
    %mul3A_72 = arith.muli %add3A_70, %mul3A_71 : i32
    %add3A_73 = vector.broadcast %mul3A_72 : i32 to vector<1x256xi32>
    %add3A_74 = arith.addi %convert_element_type3A_66, %add3A_73 : vector<1x256xi32>
    %get3A_75 = arith.constant 0 : index
    %get3A_76 = arith.constant 0 : index
    %get3A_77 = vector.load %arg9[%get3A_75, %get3A_76] : memref<1x256xf32, #tpu.memory_space<vmem>>, vector<1x256xf32>
    %gt3A_78 = arith.cmpf ogt, %broadcast_in_dim3A_54, %get3A_77 : vector<1x256xf32>
    %get3A_79 = arith.constant 0 : index
    %get3A_80 = arith.constant 0 : index
    %get3A_81 = vector.load %arg9[%get3A_79, %get3A_80] : memref<1x256xf32, #tpu.memory_space<vmem>>, vector<1x256xf32>
    %select_n3A_82 = arith.select %gt3A_78, %broadcast_in_dim3A_54, %get3A_81 : vector<1x256xi1>, vector<1x256xf32>
    %swap3A_83 = arith.constant 0 : index
    %swap3A_84 = arith.constant 0 : index
    %swap3A_85 = vector.load %arg9[%swap3A_83, %swap3A_84] : memref<1x256xf32, #tpu.memory_space<vmem>>, vector<1x256xf32>
    tpu.vector_store %arg9[%swap3A_83, %swap3A_84], %select_n3A_82 {strides = array<i32>} : memref<1x256xf32, #tpu.memory_space<vmem>>, vector<1x256xf32>,
    %get3A_86 = arith.constant 0 : index
    %get3A_87 = arith.constant 0 : index
    %get3A_88 = vector.load %arg10[%get3A_86, %get3A_87] : memref<1x256xi32, #tpu.memory_space<vmem>>, vector<1x256xi32>
    %select_n3A_89 = arith.select %gt3A_78, %add3A_74, %get3A_88 : vector<1x256xi1>, vector<1x256xi32>
    %swap3A_90 = arith.constant 0 : index
    %swap3A_91 = arith.constant 0 : index
    %swap3A_92 = vector.load %arg10[%swap3A_90, %swap3A_91] : memref<1x256xi32, #tpu.memory_space<vmem>>, vector<1x256xi32>
    tpu.vector_store %arg10[%swap3A_90, %swap3A_91], %select_n3A_89 {strides = array<i32>} : memref<1x256xi32, #tpu.memory_space<vmem>>, vector<1x256xi32>,
    %get3A_93 = arith.constant 0 : index
    %get3A_94 = arith.constant 0 : index
    %get3A_95 = vector.load %arg4[%get3A_93, %get3A_94] : memref<2000x64xf32, #tpu.memory_space<vmem>>, vector<2000x64xf32>
    %dot_general3A_96 = arith.constant dense<0.000000e+00> : vector<2000x256xf32>
    %dot_general3A_97 = tpu.matmul %get3A_95, %mul3A_8, %dot_general3A_96 {dimension_numbers = #tpu.dot_dimension_numbers<[1], [1], [0], [0], [0, 0, 1, 0], [], []>, transpose_lhs_hint = false} : vector<2000x64xf32>, vector<256x64xf32>, vector<2000x256xf32> -> vector<2000x256xf32>
    %reduce_max3A_98 = arith.constant dense<0xFF800000> : vector<256xf32>
    %reduce_max3A_99 = vector.multi_reduction <maximumf>, %dot_general3A_97, %reduce_max3A_98 [0] : vector<2000x256xf32> to vector<256xf32>
    %broadcast_in_dim3A_100 = vector.shape_cast %reduce_max3A_99 : vector<256xf32> to vector<1x256xf32>
    %eq3A_101 = vector.broadcast %broadcast_in_dim3A_100 : vector<1x256xf32> to vector<2000x256xf32>
    %eq3A_102 = arith.cmpf oeq, %dot_general3A_97, %eq3A_101 : vector<2000x256xf32>
    %get3A_103 = arith.constant 0 : index
    %get3A_104 = arith.constant 0 : index
    %get3A_105 = vector.load %arg11[%get3A_103, %get3A_104] : memref<2000x256xf32, #tpu.memory_space<vmem>>, vector<2000x256xf32>
    %jit3A_106 = arith.constant 3.000000e+38 : f32
    %broadcast_in_dim3A_107 = vector.broadcast %jit3A_106 : f32 to vector<2000x256xf32>
    %select_n3A_108 = arith.select %eq3A_102, %get3A_105, %broadcast_in_dim3A_107 : vector<2000x256xi1>, vector<2000x256xf32>
    %reduce_min3A_109 = arith.constant dense<0x7F800000> : vector<256xf32>
    %reduce_min3A_110 = vector.multi_reduction <minimumf>, %select_n3A_108, %reduce_min3A_109 [0] : vector<2000x256xf32> to vector<256xf32>
    %broadcast_in_dim3A_111 = vector.shape_cast %reduce_min3A_110 : vector<256xf32> to vector<1x256xf32>
    %convert_element_type3A_112 = arith.fptosi %broadcast_in_dim3A_111 : vector<1x256xf32> to vector<1x256xi32>
    %mul3A_113 = arith.constant 5 : i32
    %mul3A_114 = arith.muli %mul3A_113, %arg0 : i32
    %add3A_115 = arith.constant 2 : i32
    %add3A_116 = arith.addi %mul3A_114, %add3A_115 : i32
    %mul3A_117 = arith.constant 2000 : i32
    %mul3A_118 = arith.muli %add3A_116, %mul3A_117 : i32
    %add3A_119 = vector.broadcast %mul3A_118 : i32 to vector<1x256xi32>
    %add3A_120 = arith.addi %convert_element_type3A_112, %add3A_119 : vector<1x256xi32>
    %get3A_121 = arith.constant 0 : index
    %get3A_122 = arith.constant 0 : index
    %get3A_123 = vector.load %arg9[%get3A_121, %get3A_122] : memref<1x256xf32, #tpu.memory_space<vmem>>, vector<1x256xf32>
    %gt3A_124 = arith.cmpf ogt, %broadcast_in_dim3A_100, %get3A_123 : vector<1x256xf32>
    %get3A_125 = arith.constant 0 : index
    %get3A_126 = arith.constant 0 : index
    %get3A_127 = vector.load %arg9[%get3A_125, %get3A_126] : memref<1x256xf32, #tpu.memory_space<vmem>>, vector<1x256xf32>
    %select_n3A_128 = arith.select %gt3A_124, %broadcast_in_dim3A_100, %get3A_127 : vector<1x256xi1>, vector<1x256xf32>
    %swap3A_129 = arith.constant 0 : index
    %swap3A_130 = arith.constant 0 : index
    %swap3A_131 = vector.load %arg9[%swap3A_129, %swap3A_130] : memref<1x256xf32, #tpu.memory_space<vmem>>, vector<1x256xf32>
    tpu.vector_store %arg9[%swap3A_129, %swap3A_130], %select_n3A_128 {strides = array<i32>} : memref<1x256xf32, #tpu.memory_space<vmem>>, vector<1x256xf32>,
    %get3A_132 = arith.constant 0 : index
    %get3A_133 = arith.constant 0 : index
    %get3A_134 = vector.load %arg10[%get3A_132, %get3A_133] : memref<1x256xi32, #tpu.memory_space<vmem>>, vector<1x256xi32>
    %select_n3A_135 = arith.select %gt3A_124, %add3A_120, %get3A_134 : vector<1x256xi1>, vector<1x256xi32>
    %swap3A_136 = arith.constant 0 : index
    %swap3A_137 = arith.constant 0 : index
    %swap3A_138 = vector.load %arg10[%swap3A_136, %swap3A_137] : memref<1x256xi32, #tpu.memory_space<vmem>>, vector<1x256xi32>
    tpu.vector_store %arg10[%swap3A_136, %swap3A_137], %select_n3A_135 {strides = array<i32>} : memref<1x256xi32, #tpu.memory_space<vmem>>, vector<1x256xi32>,
    %get3A_139 = arith.constant 0 : index
    %get3A_140 = arith.constant 0 : index
    %get3A_141 = vector.load %arg5[%get3A_139, %get3A_140] : memref<2000x64xf32, #tpu.memory_space<vmem>>, vector<2000x64xf32>
    %dot_general3A_142 = arith.constant dense<0.000000e+00> : vector<2000x256xf32>
    %dot_general3A_143 = tpu.matmul %get3A_141, %mul3A_8, %dot_general3A_142 {dimension_numbers = #tpu.dot_dimension_numbers<[1], [1], [0], [0], [0, 0, 1, 0], [], []>, transpose_lhs_hint = false} : vector<2000x64xf32>, vector<256x64xf32>, vector<2000x256xf32> -> vector<2000x256xf32>
    %reduce_max3A_144 = arith.constant dense<0xFF800000> : vector<256xf32>
    %reduce_max3A_145 = vector.multi_reduction <maximumf>, %dot_general3A_143, %reduce_max3A_144 [0] : vector<2000x256xf32> to vector<256xf32>
    %broadcast_in_dim3A_146 = vector.shape_cast %reduce_max3A_145 : vector<256xf32> to vector<1x256xf32>
    %eq3A_147 = vector.broadcast %broadcast_in_dim3A_146 : vector<1x256xf32> to vector<2000x256xf32>
    %eq3A_148 = arith.cmpf oeq, %dot_general3A_143, %eq3A_147 : vector<2000x256xf32>
    %get3A_149 = arith.constant 0 : index
    %get3A_150 = arith.constant 0 : index
    %get3A_151 = vector.load %arg11[%get3A_149, %get3A_150] : memref<2000x256xf32, #tpu.memory_space<vmem>>, vector<2000x256xf32>
    %jit3A_152 = arith.constant 3.000000e+38 : f32
    %broadcast_in_dim3A_153 = vector.broadcast %jit3A_152 : f32 to vector<2000x256xf32>
    %select_n3A_154 = arith.select %eq3A_148, %get3A_151, %broadcast_in_dim3A_153 : vector<2000x256xi1>, vector<2000x256xf32>
    %reduce_min3A_155 = arith.constant dense<0x7F800000> : vector<256xf32>
    %reduce_min3A_156 = vector.multi_reduction <minimumf>, %select_n3A_154, %reduce_min3A_155 [0] : vector<2000x256xf32> to vector<256xf32>
    %broadcast_in_dim3A_157 = vector.shape_cast %reduce_min3A_156 : vector<256xf32> to vector<1x256xf32>
    %convert_element_type3A_158 = arith.fptosi %broadcast_in_dim3A_157 : vector<1x256xf32> to vector<1x256xi32>
    %mul3A_159 = arith.constant 5 : i32
    %mul3A_160 = arith.muli %mul3A_159, %arg0 : i32
    %add3A_161 = arith.constant 3 : i32
    %add3A_162 = arith.addi %mul3A_160, %add3A_161 : i32
    %mul3A_163 = arith.constant 2000 : i32
    %mul3A_164 = arith.muli %add3A_162, %mul3A_163 : i32
    %add3A_165 = vector.broadcast %mul3A_164 : i32 to vector<1x256xi32>
    %add3A_166 = arith.addi %convert_element_type3A_158, %add3A_165 : vector<1x256xi32>
    %get3A_167 = arith.constant 0 : index
    %get3A_168 = arith.constant 0 : index
    %get3A_169 = vector.load %arg9[%get3A_167, %get3A_168] : memref<1x256xf32, #tpu.memory_space<vmem>>, vector<1x256xf32>
    %gt3A_170 = arith.cmpf ogt, %broadcast_in_dim3A_146, %get3A_169 : vector<1x256xf32>
    %get3A_171 = arith.constant 0 : index
    %get3A_172 = arith.constant 0 : index
    %get3A_173 = vector.load %arg9[%get3A_171, %get3A_172] : memref<1x256xf32, #tpu.memory_space<vmem>>, vector<1x256xf32>
    %select_n3A_174 = arith.select %gt3A_170, %broadcast_in_dim3A_146, %get3A_173 : vector<1x256xi1>, vector<1x256xf32>
    %swap3A_175 = arith.constant 0 : index
    %swap3A_176 = arith.constant 0 : index
    %swap3A_177 = vector.load %arg9[%swap3A_175, %swap3A_176] : memref<1x256xf32, #tpu.memory_space<vmem>>, vector<1x256xf32>
    tpu.vector_store %arg9[%swap3A_175, %swap3A_176], %select_n3A_174 {strides = array<i32>} : memref<1x256xf32, #tpu.memory_space<vmem>>, vector<1x256xf32>,
    %get3A_178 = arith.constant 0 : index
    %get3A_179 = arith.constant 0 : index
    %get3A_180 = vector.load %arg10[%get3A_178, %get3A_179] : memref<1x256xi32, #tpu.memory_space<vmem>>, vector<1x256xi32>
    %select_n3A_181 = arith.select %gt3A_170, %add3A_166, %get3A_180 : vector<1x256xi1>, vector<1x256xi32>
    %swap3A_182 = arith.constant 0 : index
    %swap3A_183 = arith.constant 0 : index
    %swap3A_184 = vector.load %arg10[%swap3A_182, %swap3A_183] : memref<1x256xi32, #tpu.memory_space<vmem>>, vector<1x256xi32>
    tpu.vector_store %arg10[%swap3A_182, %swap3A_183], %select_n3A_181 {strides = array<i32>} : memref<1x256xi32, #tpu.memory_space<vmem>>, vector<1x256xi32>,
    %get3A_185 = arith.constant 0 : index
    %get3A_186 = arith.constant 0 : index
    %get3A_187 = vector.load %arg6[%get3A_185, %get3A_186] : memref<2000x64xf32, #tpu.memory_space<vmem>>, vector<2000x64xf32>
    %dot_general3A_188 = arith.constant dense<0.000000e+00> : vector<2000x256xf32>
    %dot_general3A_189 = tpu.matmul %get3A_187, %mul3A_8, %dot_general3A_188 {dimension_numbers = #tpu.dot_dimension_numbers<[1], [1], [0], [0], [0, 0, 1, 0], [], []>, transpose_lhs_hint = false} : vector<2000x64xf32>, vector<256x64xf32>, vector<2000x256xf32> -> vector<2000x256xf32>
    %reduce_max3A_190 = arith.constant dense<0xFF800000> : vector<256xf32>
    %reduce_max3A_191 = vector.multi_reduction <maximumf>, %dot_general3A_189, %reduce_max3A_190 [0] : vector<2000x256xf32> to vector<256xf32>
    %broadcast_in_dim3A_192 = vector.shape_cast %reduce_max3A_191 : vector<256xf32> to vector<1x256xf32>
    %eq3A_193 = vector.broadcast %broadcast_in_dim3A_192 : vector<1x256xf32> to vector<2000x256xf32>
    %eq3A_194 = arith.cmpf oeq, %dot_general3A_189, %eq3A_193 : vector<2000x256xf32>
    %get3A_195 = arith.constant 0 : index
    %get3A_196 = arith.constant 0 : index
    %get3A_197 = vector.load %arg11[%get3A_195, %get3A_196] : memref<2000x256xf32, #tpu.memory_space<vmem>>, vector<2000x256xf32>
    %jit3A_198 = arith.constant 3.000000e+38 : f32
    %broadcast_in_dim3A_199 = vector.broadcast %jit3A_198 : f32 to vector<2000x256xf32>
    %select_n3A_200 = arith.select %eq3A_194, %get3A_197, %broadcast_in_dim3A_199 : vector<2000x256xi1>, vector<2000x256xf32>
    %reduce_min3A_201 = arith.constant dense<0x7F800000> : vector<256xf32>
    %reduce_min3A_202 = vector.multi_reduction <minimumf>, %select_n3A_200, %reduce_min3A_201 [0] : vector<2000x256xf32> to vector<256xf32>
    %broadcast_in_dim3A_203 = vector.shape_cast %reduce_min3A_202 : vector<256xf32> to vector<1x256xf32>
    %convert_element_type3A_204 = arith.fptosi %broadcast_in_dim3A_203 : vector<1x256xf32> to vector<1x256xi32>
    %mul3A_205 = arith.constant 5 : i32
    %mul3A_206 = arith.muli %mul3A_205, %arg0 : i32
    %add3A_207 = arith.constant 4 : i32
    %add3A_208 = arith.addi %mul3A_206, %add3A_207 : i32
    %mul3A_209 = arith.constant 2000 : i32
    %mul3A_210 = arith.muli %add3A_208, %mul3A_209 : i32
    %add3A_211 = vector.broadcast %mul3A_210 : i32 to vector<1x256xi32>
    %add3A_212 = arith.addi %convert_element_type3A_204, %add3A_211 : vector<1x256xi32>
    %get3A_213 = arith.constant 0 : index
    %get3A_214 = arith.constant 0 : index
    %get3A_215 = vector.load %arg9[%get3A_213, %get3A_214] : memref<1x256xf32, #tpu.memory_space<vmem>>, vector<1x256xf32>
    %gt3A_216 = arith.cmpf ogt, %broadcast_in_dim3A_192, %get3A_215 : vector<1x256xf32>
    %get3A_217 = arith.constant 0 : index
    %get3A_218 = arith.constant 0 : index
    %get3A_219 = vector.load %arg9[%get3A_217, %get3A_218] : memref<1x256xf32, #tpu.memory_space<vmem>>, vector<1x256xf32>
    %select_n3A_220 = arith.select %gt3A_216, %broadcast_in_dim3A_192, %get3A_219 : vector<1x256xi1>, vector<1x256xf32>
    %swap3A_221 = arith.constant 0 : index
    %swap3A_222 = arith.constant 0 : index
    %swap3A_223 = vector.load %arg9[%swap3A_221, %swap3A_222] : memref<1x256xf32, #tpu.memory_space<vmem>>, vector<1x256xf32>
    tpu.vector_store %arg9[%swap3A_221, %swap3A_222], %select_n3A_220 {strides = array<i32>} : memref<1x256xf32, #tpu.memory_space<vmem>>, vector<1x256xf32>,
    %get3A_224 = arith.constant 0 : index
    %get3A_225 = arith.constant 0 : index
    %get3A_226 = vector.load %arg10[%get3A_224, %get3A_225] : memref<1x256xi32, #tpu.memory_space<vmem>>, vector<1x256xi32>
    %select_n3A_227 = arith.select %gt3A_216, %add3A_212, %get3A_226 : vector<1x256xi1>, vector<1x256xi32>
    %swap3A_228 = arith.constant 0 : index
    %swap3A_229 = arith.constant 0 : index
    %swap3A_230 = vector.load %arg10[%swap3A_228, %swap3A_229] : memref<1x256xi32, #tpu.memory_space<vmem>>, vector<1x256xi32>
    tpu.vector_store %arg10[%swap3A_228, %swap3A_229], %select_n3A_227 {strides = array<i32>} : memref<1x256xi32, #tpu.memory_space<vmem>>, vector<1x256xi32>,
    %eq3A_231 = arith.constant 99 : i32
    %eq3A_232 = arith.cmpi eq, %arg0, %eq3A_231 : i32
    %convert_element_type3A_233 = arith.extui %eq3A_232 : i1 to i32
    %cond3A_234 = arith.constant 0 : i32
    %cond3A_235 = arith.cmpi ne, %convert_element_type3A_233, %cond3A_234 : i32
    scf.if %cond3A_235 {
      %get3A_236 = arith.constant 0 : index
      %get3A_237 = arith.constant 0 : index
      %get3A_238 = vector.load %arg10[%get3A_236, %get3A_237] : memref<1x256xi32, #tpu.memory_space<vmem>>, vector<1x256xi32>
      %swap3A_239 = arith.constant 0 : index
      %swap3A_240 = arith.constant 0 : index
      %swap3A_241 = vector.load %arg7[%swap3A_239, %swap3A_240] : memref<1x256xi32, #tpu.memory_space<vmem>>, vector<1x256xi32>
      tpu.vector_store %arg7[%swap3A_239, %swap3A_240], %get3A_238 {strides = array<i32>} : memref<1x256xi32, #tpu.memory_space<vmem>>, vector<1x256xi32>,
      %swap3A_242 = arith.constant 0 : index
      %swap3A_243 = arith.constant 0 : index
      %swap3A_244 = vector.load %arg8[%swap3A_242, %swap3A_243] : memref<256x64xf32, #tpu.memory_space<vmem>>, vector<256x64xf32>
      tpu.vector_store %arg8[%swap3A_242, %swap3A_243], %mul3A_8 {strides = array<i32>} : memref<256x64xf32, #tpu.memory_space<vmem>>, vector<256x64xf32>,
    } else {
    }
    return
  }
  func.func @transform_0(%arg0: i32) -> (i32, i32) {
    %c0_i32 = arith.constant 0 : i32
    %c0_i32_0 = arith.constant 0 : i32
    %c0_i32_1 = arith.constant 0 : i32
    return %c0_i32, %c0_i32_0 : i32, i32
  }
  func.func @transform_1(%arg0: i32) -> (i32, i32) {
    %mul3A = arith.constant 5 : i32
    %mul3A_0 = arith.muli %mul3A, %arg0 : i32
    %add3A = arith.constant 0 : i32
    %add3A_1 = arith.addi %mul3A_0, %add3A : i32
    %c0_i32 = arith.constant 0 : i32
    %c0_i32_2 = arith.constant 0 : i32
    return %add3A_1, %c0_i32 : i32, i32
  }
  func.func @transform_2(%arg0: i32) -> (i32, i32) {
    %mul3A = arith.constant 5 : i32
    %mul3A_0 = arith.muli %mul3A, %arg0 : i32
    %add3A = arith.constant 1 : i32
    %add3A_1 = arith.addi %mul3A_0, %add3A : i32
    %c0_i32 = arith.constant 0 : i32
    %c0_i32_2 = arith.constant 0 : i32
    return %add3A_1, %c0_i32 : i32, i32
  }
  func.func @transform_3(%arg0: i32) -> (i32, i32) {
    %mul3A = arith.constant 5 : i32
    %mul3A_0 = arith.muli %mul3A, %arg0 : i32
    %add3A = arith.constant 2 : i32
    %add3A_1 = arith.addi %mul3A_0, %add3A : i32
    %c0_i32 = arith.constant 0 : i32
    %c0_i32_2 = arith.constant 0 : i32
    return %add3A_1, %c0_i32 : i32, i32
  }
  func.func @transform_4(%arg0: i32) -> (i32, i32) {
    %mul3A = arith.constant 5 : i32
    %mul3A_0 = arith.muli %mul3A, %arg0 : i32
    %add3A = arith.constant 3 : i32
    %add3A_1 = arith.addi %mul3A_0, %add3A : i32
    %c0_i32 = arith.constant 0 : i32
    %c0_i32_2 = arith.constant 0 : i32
    return %add3A_1, %c0_i32 : i32, i32
  }
  func.func @transform_5(%arg0: i32) -> (i32, i32) {
    %mul3A = arith.constant 5 : i32
    %mul3A_0 = arith.muli %mul3A, %arg0 : i32
    %add3A = arith.constant 4 : i32
    %add3A_1 = arith.addi %mul3A_0, %add3A : i32
    %c0_i32 = arith.constant 0 : i32
    %c0_i32_2 = arith.constant 0 : i32
    return %add3A_1, %c0_i32 : i32, i32
  }
  func.func @transform_6(%arg0: i32) -> (i32, i32) {
    %c0_i32 = arith.constant 0 : i32
    %c0_i32_0 = arith.constant 0 : i32
    %c0_i32_1 = arith.constant 0 : i32
    return %c0_i32, %c0_i32_0 : i32, i32
  }
  func.func @transform_7(%arg0: i32) -> (i32, i32) {
    %c0_i32 = arith.constant 0 : i32
    %c0_i32_0 = arith.constant 0 : i32
    %c0_i32_1 = arith.constant 0 : i32
    return %c0_i32, %c0_i32_0 : i32, i32
  }
}

module attributes {stable_mosaic.version = 14 : i64} {
  func.func @_loss_body(%arg0: memref<256x64xf32, #tpu.memory_space<vmem>>, %arg1: memref<256x64xf32, #tpu.memory_space<vmem>>, %arg2: memref<512x1xf32, #tpu.memory_space<vmem>>) attributes {dimension_semantics = [], scalar_prefetch = 0 : i64, scratch_operands = 0 : i64, tpu.core_type = #tpu.core_type<tc>} {
    %get3A = arith.constant 0 : index
    %get3A_0 = arith.constant 0 : index
    %get3A_1 = vector.load %arg0[%get3A, %get3A_0] : memref<256x64xf32, #tpu.memory_space<vmem>>, vector<256x64xf32>
    %get3A_2 = arith.constant 0 : index
    %get3A_3 = arith.constant 0 : index
    %get3A_4 = vector.load %arg1[%get3A_2, %get3A_3] : memref<256x64xf32, #tpu.memory_space<vmem>>, vector<256x64xf32>
    %slice3A = vector.extract_strided_slice %get3A_1 {offsets = [0, 0], sizes = [128, 64], strides = [1, 1]} : vector<256x64xf32> to vector<128x64xf32>
    %slice3A_5 = vector.extract_strided_slice %get3A_1 {offsets = [128, 0], sizes = [128, 64], strides = [1, 1]} : vector<256x64xf32> to vector<128x64xf32>
    %slice3A_6 = vector.extract_strided_slice %get3A_4 {offsets = [0, 0], sizes = [128, 64], strides = [1, 1]} : vector<256x64xf32> to vector<128x64xf32>
    %slice3A_7 = vector.extract_strided_slice %get3A_4 {offsets = [128, 0], sizes = [128, 64], strides = [1, 1]} : vector<256x64xf32> to vector<128x64xf32>
    %dot_general3A = arith.constant dense<0.000000e+00> : vector<128x128xf32>
    %dot_general3A_8 = tpu.matmul %slice3A_6, %slice3A_5, %dot_general3A {dimension_numbers = #tpu.dot_dimension_numbers<[1], [1], [0], [0], [0, 0, 1, 0], [], []>, transpose_lhs_hint = false} : vector<128x64xf32>, vector<128x64xf32>, vector<128x128xf32> -> vector<128x128xf32>
    %mul3A = arith.constant 1.000000e+01 : f32
    %mul3A_9 = vector.broadcast %mul3A : f32 to vector<128x128xf32>
    %mul3A_10 = arith.mulf %dot_general3A_8, %mul3A_9 : vector<128x128xf32>
    %dot_general3A_11 = arith.constant dense<0.000000e+00> : vector<128x128xf32>
    %dot_general3A_12 = tpu.matmul %slice3A_5, %slice3A_6, %dot_general3A_11 {dimension_numbers = #tpu.dot_dimension_numbers<[1], [1], [0], [0], [0, 0, 1, 0], [], []>, transpose_lhs_hint = false} : vector<128x64xf32>, vector<128x64xf32>, vector<128x128xf32> -> vector<128x128xf32>
    %mul3A_13 = arith.constant 1.000000e+01 : f32
    %mul3A_14 = vector.broadcast %mul3A_13 : f32 to vector<128x128xf32>
    %mul3A_15 = arith.mulf %dot_general3A_12, %mul3A_14 : vector<128x128xf32>
    %dot_general3A_16 = arith.constant dense<0.000000e+00> : vector<128x128xf32>
    %dot_general3A_17 = tpu.matmul %slice3A_7, %slice3A, %dot_general3A_16 {dimension_numbers = #tpu.dot_dimension_numbers<[1], [1], [0], [0], [0, 0, 1, 0], [], []>, transpose_lhs_hint = false} : vector<128x64xf32>, vector<128x64xf32>, vector<128x128xf32> -> vector<128x128xf32>
    %mul3A_18 = arith.constant 1.000000e+01 : f32
    %mul3A_19 = vector.broadcast %mul3A_18 : f32 to vector<128x128xf32>
    %mul3A_20 = arith.mulf %dot_general3A_17, %mul3A_19 : vector<128x128xf32>
    %dot_general3A_21 = arith.constant dense<0.000000e+00> : vector<128x128xf32>
    %dot_general3A_22 = tpu.matmul %slice3A, %slice3A_7, %dot_general3A_21 {dimension_numbers = #tpu.dot_dimension_numbers<[1], [1], [0], [0], [0, 0, 1, 0], [], []>, transpose_lhs_hint = false} : vector<128x64xf32>, vector<128x64xf32>, vector<128x128xf32> -> vector<128x128xf32>
    %mul3A_23 = arith.constant 1.000000e+01 : f32
    %mul3A_24 = vector.broadcast %mul3A_23 : f32 to vector<128x128xf32>
    %mul3A_25 = arith.mulf %dot_general3A_22, %mul3A_24 : vector<128x128xf32>
    %concatenate3A = tpu.concatenate %mul3A_10, %mul3A_15, %mul3A_20, %mul3A_25 in 0 : vector<128x128xf32>, vector<128x128xf32>, vector<128x128xf32>, vector<128x128xf32> -> vector<512x128xf32>
    %reduce_max3A = arith.constant dense<0xFF800000> : vector<512xf32>
    %reduce_max3A_26 = vector.multi_reduction <maximumf>, %concatenate3A, %reduce_max3A [1] : vector<512x128xf32> to vector<512xf32>
    %broadcast_in_dim3A = vector.shape_cast %reduce_max3A_26 : vector<512xf32> to vector<512x1xf32>
    %sub3A = vector.broadcast %broadcast_in_dim3A : vector<512x1xf32> to vector<512x128xf32>
    %sub3A_27 = arith.subf %concatenate3A, %sub3A : vector<512x128xf32>
    %exp3A = math.exp %sub3A_27 : vector<512x128xf32>
    %reduce_sum3A = arith.constant dense<0.000000e+00> : vector<512xf32>
    %reduce_sum3A_28 = vector.multi_reduction <add>, %exp3A, %reduce_sum3A [1] : vector<512x128xf32> to vector<512xf32>
    %broadcast_in_dim3A_29 = vector.shape_cast %reduce_sum3A_28 : vector<512xf32> to vector<512x1xf32>
    %log3A = math.log %broadcast_in_dim3A_29 : vector<512x1xf32>
    %add3A = arith.addf %broadcast_in_dim3A, %log3A : vector<512x1xf32>
    %iota3A = tpu.iota {dimensions = array<i32: 0>} : vector<512x128xi32>
    %iota3A_30 = tpu.iota {dimensions = array<i32: 1>} : vector<512x128xi32>
    %rem3A = arith.constant 128 : i32
    %rem3A_31 = vector.broadcast %rem3A : i32 to vector<512x128xi32>
    %rem3A_32 = arith.remsi %iota3A, %rem3A_31 : vector<512x128xi32>
    %eq3A = arith.cmpi eq, %iota3A_30, %rem3A_32 : vector<512x128xi32>
    %jit3A = arith.constant 0.000000e+00 : f32
    %broadcast_in_dim3A_33 = vector.broadcast %jit3A : f32 to vector<512x128xf32>
    %select_n3A = arith.select %eq3A, %concatenate3A, %broadcast_in_dim3A_33 : vector<512x128xi1>, vector<512x128xf32>
    %reduce_sum3A_34 = arith.constant dense<0.000000e+00> : vector<512xf32>
    %reduce_sum3A_35 = vector.multi_reduction <add>, %select_n3A, %reduce_sum3A_34 [1] : vector<512x128xf32> to vector<512xf32>
    %broadcast_in_dim3A_36 = vector.shape_cast %reduce_sum3A_35 : vector<512xf32> to vector<512x1xf32>
    %sub3A_37 = arith.subf %add3A, %broadcast_in_dim3A_36 : vector<512x1xf32>
    %swap3A = arith.constant 0 : index
    %swap3A_38 = arith.constant 0 : index
    %swap3A_39 = vector.load %arg2[%swap3A, %swap3A_38] : memref<512x1xf32, #tpu.memory_space<vmem>>, vector<512x1xf32>
    tpu.vector_store %arg2[%swap3A, %swap3A_38], %sub3A_37 {strides = array<i32>} : memref<512x1xf32, #tpu.memory_space<vmem>>, vector<512x1xf32>,
    return
  }
}

</mosaic_0001>

<sc_bundles>
// kernel: kernel.5.cloned.1.call-start
scs
__scs_entry_jumppad:
0x0: {  	(pc) =	sbr.rel $0x88, $3  }
0x1: {  	(tag) =	ssettag $0x0;
	lr =	simm.s32 $0x1  }
0x2: {  	[smem:$0x3F9E] =	sst lr;
	_ =	strace $0xD0000000  }
0x3: {  	_ = 	snop  }
0x4: {  	_ = 	snop  }
0x5: {  	_ = 	snop  }
0x6: {  	_ = 	snop  }
0x7: {  	_ = 	snop  }
__scs_overlays_trampoline_lowered:
0x8: {  	[smem:$0x3FAD] =	sst s0  }
0x9: {  	[smem:$0x3FAE] =	sst s1  }
0xa: {  	[smem:$0x3FAF] =	sst s2  }
0xb: {  	[smem:$0x3FB0] =	sst s3  }
0xc: {  	[smem:$0x3FB1] =	sst s4  }
0xd: {  	[smem:$0x3FB2] =	sst s5  }
0xe: {  	[smem:$0x3FB3] =	sst s6  }
0xf: {  	[smem:$0x3FB4] =	sst s7  }
0x10: {  	[smem:$0x3FB5] =	sst s8  }
0x11: {  	[smem:$0x3FB6] =	sst s9;
	s0 =	simm.s32 @!p0 $0x0  }
0x12: {  	s1 =	sld [smem:$0x3F9C];
	s0 =	simm.s32 @p0 $0x1  }
0x13: {  	[smem:$0x3FB7] =	sst s0;
	s0 =	simm.s32 @!p1 $0x0  }
0x14: {  	s2 =	sld [smem:$0x3F9B];
	s0 =	simm.s32 @p1 $0x1  }
0x15: {  	[smem:$0x3FB8] =	sst s0;
	s0 =	simm.s32 @!p2 $0x0  }
0x16: {  	s3 =	sld [smem:$0x3FDB];
	s0 =	simm.s32 @p2 $0x1  }
0x17: {  	s4 =	simm.s32 $0x1BF5;
	[smem:$0x3FBA] =	sst s0  }
0x18: {  	s0 =	sld [smem:$0x3F9D];
	_ =	swait.ge [sflag:s4], $0x0  }
0x19: {  	s7 =	sld [smem:$0x3F9E]  }
0x1a: {  	s8 =	sadd.s32 $0xFFFFE003, lr  }
0x1b: {  	s9 =	sadd.s32 $0xFFFFFEF7, lr;
	s5 =	simm.s32 $0xFFFFFFFF;
	p2 =	slt.u32 s8, $0xFFFFF086  }
0x1c: {  	p1 =	slt.u32 s9, $0xF7A;
	s5 =	simm.s32 @!p2 $0x0  }
0x1d: {  	s5 =	simm.s32 @p1 $0x1;
	p0 =	seq.s32 s7, s2  }
0x1e: {  	s7 =	smul.u32 @!p0 $0xF7A, s2;
	p2 =	seq.s32 @!p0 s5, $0x0  }
0x1f: {  	s9 =	smul.u32 $0xF7A, s1;
	s8 =	simm.s32 @!p0 $0x1BF5;
	p2 =	por !p2, p0  }
0x20: {  	[sflag:s8] =	ssyncset.s32 @!p0 $0xFFFFF086;
	s6 =	sadd.s32 @!p0 s3, s7;
	s7 =	simm.s32 @!p0 $0x108  }
0x21: {  	s3 =	sadd.s32 s3, s9;
	s6 =	sadd.s32 @!p0 $0x88, s6;
	s7 =	simm.s32 @p2 $0x1082  }
0x22: {  	[simem:s7], [sflag:s8] =	dma.local @!p0 [hbm:s6], $0xF7A  }
0x23: {  	s9 =	sor.u32 $0xD0000000, s2;
	s6 =	simm.s32 $0x108;
	_ =	swait.ge @!p0 [sflag:s8], $0x0  }
0x24: {  	s3 =	sadd.s32 $0x88, s3;
	s6 =	simm.s32 @!p1 $0x1082;
	[sflag:s4] =	ssyncset.s32 $0xFFFFF086  }
0x25: {  	[simem:s6], [sflag:s4] =	dma.local [hbm:s3], $0xF7A  }
0x26: {  	[smem:$0x3F9E] =	sst s1;
	(tag) =	ssettag s2;
	_ =	strace s9  }
0x27: {  	s1 =	sld [smem:$0x3FAE]  }
0x28: {  	s2 =	sld [smem:$0x3FAF]  }
0x29: {  	s4 =	sld [smem:$0x3FB1]  }
0x2a: {  	p0 =	seq.s32 s5, $0x0;
	s5 =	sld [smem:$0x3FB2]  }
0x2b: {  	s6 =	sld [smem:$0x3FB3]  }
0x2c: {  	s7 =	sld [smem:$0x3FB4]  }
0x2d: {  	s3 =	simm.s32 $0x108;
	s8 =	sld [smem:$0x3FB5]  }
0x2e: {  	s3 =	simm.s32 @!p0 $0x1082;
	s9 =	sld [smem:$0x3FB6]  }
0x2f: {  	lr =	sadd.s32 s0, s3;
	s0 =	sld [smem:$0x3FAD]  }
0x30: {  	s3 =	sld [smem:$0x3FB0]  }
0x31: {  	[smem:$0x3FB9] =	sst s10  }
0x32: {  	s10 =	sld [smem:$0x3FB7];
	_ =	sdelay $0x3  }
0x33: {  	p0 =	seq.s32 s10, $0x1;
	s10 =	sld [smem:$0x3FB9];
	_ =	sdelay $0x3  }
0x34: {  	[smem:$0x3FB9] =	sst s10  }
0x35: {  	s10 =	sld [smem:$0x3FB8];
	_ =	sdelay $0x3  }
0x36: {  	p1 =	seq.s32 s10, $0x1;
	s10 =	sld [smem:$0x3FB9];
	_ =	sdelay $0x3  }
0x37: {  	[smem:$0x3FB9] =	sst s10  }
0x38: {  	s10 =	sld [smem:$0x3FBA]  }
0x39: {  	_ = 	snop;
	(pc) =	sbr.ind lr, $3  }
0x3a: {  	_ = 	snop  }
0x3b: {  	_ = 	snop  }
0x3c: {  	p2 =	seq.s32 s10, $0x1;
	s10 =	sld [smem:$0x3FB9]  }
0x3d: {  	_ =	shalt  }
0x3e: {  	_ =	shalt  }
0x3f: {  	_ =	shalt  }
0x40: {  	_ =	shalt  }
0x41: {  	_ =	shalt  }
0x42: {  	_ =	shalt  }
0x43: {  	_ =	shalt  }
0x44: {  	_ =	shalt  }
0x45: {  	_ =	shalt  }
0x46: {  	_ =	shalt  }
0x47: {  	_ =	shalt  }
0x48: {  	_ =	shalt  }
0x49: {  	_ =	shalt  }
0x4a: {  	_ =	shalt  }
0x4b: {  	_ =	shalt  }
0x4c: {  	_ =	shalt  }
0x4d: {  	_ =	shalt  }
0x4e: {  	_ =	shalt  }
0x4f: {  	_ =	shalt  }
0x50: {  	_ =	shalt  }
0x51: {  	_ =	shalt  }
0x52: {  	_ =	shalt  }
0x53: {  	_ =	shalt  }
0x54: {  	_ =	shalt  }
0x55: {  	_ =	shalt  }
0x56: {  	_ =	shalt  }
0x57: {  	_ =	shalt  }
0x58: {  	_ =	shalt  }
0x59: {  	_ =	shalt  }
0x5a: {  	_ =	shalt  }
0x5b: {  	_ =	shalt  }
0x5c: {  	_ =	shalt  }
0x5d: {  	_ =	shalt  }
0x5e: {  	_ =	shalt  }
0x5f: {  	_ =	shalt  }
0x60: {  	_ =	shalt  }
0x61: {  	_ =	shalt  }
0x62: {  	_ =	shalt  }
0x63: {  	_ =	shalt  }
0x64: {  	_ =	shalt  }
0x65: {  	_ =	shalt  }
0x66: {  	_ =	shalt  }
0x67: {  	_ =	shalt  }
0x68: {  	_ =	shalt  }
0x69: {  	_ =	shalt  }
0x6a: {  	_ =	shalt  }
0x6b: {  	_ =	shalt  }
0x6c: {  	_ =	shalt  }
0x6d: {  	_ =	shalt  }
0x6e: {  	_ =	shalt  }
0x6f: {  	_ =	shalt  }
0x70: {  	_ =	shalt  }
0x71: {  	_ =	shalt  }
0x72: {  	_ =	shalt  }
0x73: {  	_ =	shalt  }
0x74: {  	_ =	shalt  }
0x75: {  	_ =	shalt  }
0x76: {  	_ =	shalt  }
0x77: {  	_ =	shalt  }
0x78: {  	_ =	shalt  }
0x79: {  	_ =	shalt  }
0x7a: {  	_ =	shalt  }
0x7b: {  	_ =	shalt  }
0x7c: {  	_ =	shalt  }
0x7d: {  	_ =	shalt  }
0x7e: {  	_ =	shalt  }
0x7f: {  	_ =	shalt  }
0x80: {  	_ =	shalt  }
0x81: {  	_ =	shalt  }
0x82: {  	_ =	shalt  }
0x83: {  	_ =	shalt  }
0x84: {  	_ =	shalt  }
0x85: {  	_ =	shalt  }
0x86: {  	_ =	shalt  }
0x87: {  	_ =	shalt  }
.Lfunc_end0:
.L_simem_size_0:
called_computation_lowered:
.L_overlay_start_0:
0x88: {  	s2 =	sld [smem:$0x3FD9]  }
0x89: {  	s3 =	sld [smem:$0x3FFE];
	_ =	sdelay $0x1  }
0x8a: {  	s1 =	srdreg.scid  }
0x8b: {  	s0 =	sand.u32 $0x1, s1  }
0x8c: {  	s17 =	sshll.u32 s0, $0xA;
	s2 =	sadd.s32 s3, s2  }
0x8d: {  	s2 =	sadd.s32 s2, s17  }
0x8e: {  	[smem:$0x3FC5] =	sst s2  }
0x8f: {  	_ = 	snop  }
0x90: {  	s2 =	sld [smem:$0x3FD0];
	(tm) =	ssettm $0x1  }
0x91: {  	s18 =	sld [smem:$0x3FFB];
	_ =	sdelay $0x3  }
0x92: {  	_ =	strace s18  }
0x93: {  	s3 =	sld [smem:$0x3FFC];
	_ =	sdelay $0x3  }
0x94: {  	_ =	strace s3  }
0x95: {  	s3 =	sld [smem:$0x3FFD];
	_ =	sdelay $0x3  }
0x96: {  	_ =	strace s3  }
0x97: {  	_ =	strace $0x8FFFFFFF  }
0x98: {  	s19 =	sld [smem:$0x3FDB];
	_ =	sdelay $0x1  }
0x99: {  	s4 =	simm.s32 $_scs_section_size  }
0x9a: {  	s5 =	simm.s32 $_size__tile_overlayer_lowered;
	s6 =	simm.s32 $_tile_overlayer_lowered  }
0x9b: {  	s22 =	simm.s32 $0x1BFF;
	s21 =	sshll.u32 s6, $0x1;
	s3 =	sadd.s32 s4, s19  }
0x9c: {  	s7 =	simm.s32 $0x0;
	s20 =	sshll.u32 s5, $0x1;
	s5 =	sadd.s32 s21, s3  }
0x9d: {  	[timem:s7], [sflag:s22] =	dma.local [hbm:s5], s20  }
0x9e: {  	_ =	swait.ge [sflag:s22], s20  }
0x9f: {  	s4 =	ssub.s32 $0x0, s20;
	[sflag:s22] =	ssyncset.done $0x0  }
0xa0: {  	[sflag:s22] =	ssyncadd.s32 s4;
	_ =	sdelay $0x1  }
0xa1: {  	s23 =	simm.s32 $0x1B8B  }
0xa2: {  	_ =	swait.ge [sflag:s23], $0x1  }
0xa3: {  	[sflag:s23] =	ssyncset.done $0x0  }
0xa4: {  	s25 =	simm.s32 $0x1B8E;
	s24 =	sld [smem:$0x3FFE];
	[sflag:s23] =	ssyncadd.s32 $0xFFFFFFFF  }
0xa5: {  	s26 =	simm.s32 $execute0_lowered;
	[smem:$0x3FD2] =	sst s25  }
0xa6: {  	s5 =	sshll.u32 s26, $0x1;
	_ =	strace $0x80000046;
	[dreg:$0x1] =	wrdreg $0xFFFFFFFF  }
0xa7: {  	s28 =	simm.s32 $_size_execute0_lowered;
	s3 =	sadd.s32 s3, s5;
	[dreg:$0x0] =	wrdreg $0x0  }
0xa8: {  	s5 =	sshll.u32 s28, $0x1;
	[dreg:$0x2] =	wrdreg s3  }
0xa9: {  	[dreg:$0x3] =	wrdreg s5  }
0xaa: {  	[dreg:$0x4] =	wrdreg $0xC0  }
0xab: {  	_ =	task [dreg:s7], $0x5FFFF  }
0xac: {  	[dreg:$0x1] =	wrdreg $0xFFFFFFFF  }
0xad: {  	[dreg:$0x0] =	wrdreg $0x60  }
0xae: {  	[dreg:$0x2] =	wrdreg s24  }
0xaf: {  	[dreg:$0x3] =	wrdreg s2  }
0xb0: {  	[dreg:$0x4] =	wrdreg $0x9  }
0xb1: {  	_ =	task.clear_ibuf [dreg:s7], $0x5FFFF;
	_ =	strace $0x90000046  }
0xb2: {  	s29 =	simm.s32 $0x9;
	_ =	strace $0x80000048  }
0xb3: {  	_ =	swait.ge [sflag:s29], $0x1  }
0xb4: {  	[sflag:s29] =	ssyncadd.s32 $0xFFFFFFFF  }
0xb5: {  	_ =	strace $0x90000048  }
0xb6: {  	_ =	sfence  }
0xb7: {  	s30 =	sld [smem:$0x0];
	_ =	sdelay $0x2  }
0xb8: {  	s31 =	sshll.u32 s1, $0xD;
	s1 =	sshrl.u32 s1, $0x2  }
0xb9: {  	s3 =	sand.u32 $0x4000, s31;
	s1 =	sadd.s32 s1, s30  }
0xba: {  	s0 =	sor.u32 s3, s0;
	s1 =	sshll.u32 s1, $0x11  }
0xbb: {  	s0 =	sor.u32 s1, s0  }
0xbc: {  	s0 =	sadd.s32 $0x8F2B, s0  }
0xbd: {  	[sflag:s0] =	ssyncadd.remote.s32 $0x1  }
0xbe: {  	_ =	sfence.sel $0xFFFF  }
0xbf: {  	[dreg:$0x0] =	wrdreg $0xFFFFFFFF;
	(pc) =	sbr.abs _section_cstart, $3  }
0xc0: {  	[dreg:$0x1] =	wrdreg $0xFFFFFFFF  }
0xc1: {  	_ =	task.clear_ibuf [dreg:s7], $0x2FFFF;
	_ =	strace $0x9FFFFFFF  }
0xc2: {  	(tm) =	ssettm $0x7FFFFFFF  }
0xc3: {  	_ =	shalt  }
tec
execute0_lowered:
.L_overlay_start_1:
0x0: {  	(tag) =	ssettag $0x1  }
0x1: {  	s1 =	srdreg.scid  }
0x2: {  	s8 =	rddreg [dreg:$0x0];
	s0 =	stileid.u32  }
0x3: {  	s3 =	rddreg [dreg:$0x1];
	s2 =	simm.s32 $0x0;
	s6 =	sand.u32 $0x1, s1  }
0x4: {  	s4 =	sshll.u32 s0, $0x4;
	s1 =	rddreg [dreg:$0x2];
	s5 =	sshll.u32 s6, $0x3  }
0x5: {  	s7 =	simm.s32 $0x1;
	[smem:$0x7FF] =	sst s2;
	s9 =	sor.u32 s5, s4  }
0x6: {  	_ =	strace $0x80000047;
	s10 =	ssub.s32 $0x2, s6;
	s4 =	sshrl.u32 s9, $0x3  }
0x7: {  	s6 =	simm.s32 $0x8;
	s4 =	sadd.s32 s3, s4;
	s3 =	simm.s32 $0x2  }
0x8: {  	[tilespmem:s2], [sflag:$0x2] =	stream.linear.gather [hbm4b:s4+s2], $0x8, $0x38;
	[tilespmem:$0x208] =	vst v63  }
0x9: {  	s5 =	sadd.s32 $0xF44000, s8;
	s11 =	sshrl.u32 s10, $0x1;
	_ =	swait.ge [sflag:s3], $0x8  }
0xa: {  	s9 =	sshll.u32 s9, $0x3;
	s31 =	ssub.s32 s10, s11;
	[sflag:s3] =	ssyncset.done $0x0  }
0xb: {  	s8 =	sadd.s32 s9, s8;
	s9 =	smax.u32 s31, $0x1;
	[sflag:s3] =	ssyncadd.s32 $0xFFFFFFF8  }
0xc: {  	[tilespmem:s6], [sflag:$0x1] =	stream.indirect.gather [hbm4b:s5+s6], $0x40, s2, s6, $0xb8;
	[tilespmem:$0x208] =	vst v63  }
0xd: {  	p0 =	sne.s32 s9, $0x1;
	_ =	swait.ge [sflag:s7], $0x200  }
.Ltmp0:
0xe: {  	[sflag:s7] =	ssyncset.done $0x0;
	(pc) =	sbr.rel @!p0 .LBB2_2-.Ltmp0, $4  }
0xf: {  	s8 =	sadd.s32 $0x1C00, s8;
	[sflag:s7] =	ssyncadd.s32 $0xFFFFFE00  }
0x10: {  	[hbm4b:s8+s2] =	stream.linear.scatter [tilespmem:s6], [sflag:$0x2], $0x200, $0x38;
	[tilespmem:$0x208] =	vst v63  }
0x11: {  	_ =	swait.ge [sflag:s3], $0x200  }
0x12: {  	s9 =	sadd.s32 $0xFFFFFFFF, s9;
	[sflag:s3] =	ssyncset.done $0x0  }
.LBB2_1:
0x13: {  	p0 =	sne.s32 s9, $0x1;
	s9 =	sadd.s32 $0xFFFFFFFF, s9;
	[sflag:s3] =	ssyncadd.s32 $0xFFFFFE00  }
0x14: {  	[tilespmem:s2], [sflag:$0x2] =	stream.linear.gather [hbm4b:s4+s2], $0x8, $0x38;
	[tilespmem:$0x208] =	vst v63  }
0x15: {  	_ =	swait.ge [sflag:s3], $0x8  }
0x16: {  	[sflag:s3] =	ssyncset.done $0x0  }
0x17: {  	[sflag:s3] =	ssyncadd.s32 $0xFFFFFFF8  }
0x18: {  	[tilespmem:s6], [sflag:$0x1] =	stream.indirect.gather [hbm4b:s5+s6], $0x40, s2, s6, $0xb8;
	[tilespmem:$0x208] =	vst v63  }
0x19: {  	_ =	swait.ge [sflag:s7], $0x200  }
.Ltmp1:
0x1a: {  	[sflag:s7] =	ssyncset.done $0x0;
	(pc) =	sbr.rel @p0 .LBB2_1-.Ltmp1, $4  }
0x1b: {  	[sflag:s7] =	ssyncadd.s32 $0xFFFFFE00  }
0x1c: {  	[hbm4b:s8+s2] =	stream.linear.scatter [tilespmem:s6], [sflag:$0x2], $0x200, $0x38;
	[tilespmem:$0x208] =	vst v63  }
0x1d: {  	_ =	swait.ge [sflag:s3], $0x200  }
0x1e: {  	[sflag:s3] =	ssyncset.done $0x0  }
.LBB2_2:
0x1f: {  	[sflag:s3] =	ssyncadd.s32 $0xFFFFFE00  }
0x20: {  	_ =	sfence.sel $0x180000  }
0x21: {  	[bflag:$0x0] =	sbarrier.arrive $0xFFFF  }
0x22: {  	p0 =	sne.s32 s0, $0x0;
	_ =	strace $0x90000047  }
0x23: {  	s0 =	sadd.s32 @!p0 $0x100000, s1;
	[bflag:$0x2] =	sbarrier.arrive $0xFFFF  }
0x24: {  	[sflag:s0] =	ssyncadd.tile.s32 @!p0 $0x1;
	_ =	shalt  }
.Lfunc_end2:
_tile_overlayer_lowered:
.L_overlay_start_2:
0x25: {  	(tag) =	ssettag $0x2  }
0x26: {  	s0 =	rddreg [dreg:$0x0];
	s2 =	stileid.u32  }
0x27: {  	s1 =	rddreg [dreg:$0x1];
	p0 =	sne.s32 s2, $0x0  }
0x28: {  	s3 =	rddreg [dreg:$0x2];
	[bflag:$0x3] =	sbarrier.arrive $0xFFFF;
	s2 =	simm.s32 @!p0 $0x1C02  }
0x29: {  	[timem:s3], [sflag:s2] =	dma.local @!p0 [hbm:s0], s1  }
0x2a: {  	s0 =	simm.s32 @!p0 $0x2  }
0x2b: {  	_ =	swait.ge @!p0 [sflag:s0], s1  }
0x2c: {  	s1 =	ssub.s32 @!p0 $0x0, s1;
	[sflag:s0] =	ssyncset.done @!p0 $0x0  }
0x2d: {  	[sflag:s0] =	ssyncadd.s32 @!p0 s1  }
0x2e: {  	[bflag:$0x3] =	sbarrier.arrive $0xFFFF  }
0x2f: {  	_ =	shalt  }

</sc_bundles>
